<compile_context>
chip_gen: v7x
topology: tpu7x:2x2x1
jax: 0.10.2.dev20260603
libtpu: 0.0.44.dev20260713+nightly
codegen_flags: <defaults>
</compile_context>

<pallas_src>
import functools

import jax
import jax.numpy as jnp
from jax import lax
from jax.experimental import pallas as pl
from jax.experimental.pallas import tpu as pltpu
from jax.experimental.pallas import tpu_sc as plsc

NC = 2
NS = 16
L = 16
NW = NC * NS

EMBED_DIM = 32
CHUNK = 128


def _rsqrt_nr(x):
    xi = lax.bitcast_convert_type(x, jnp.int32)
    yi = jnp.int32(0x5F3759DF) - lax.shift_right_arithmetic(xi, jnp.int32(1))
    y = lax.bitcast_convert_type(yi, jnp.float32)
    for _ in range(3):
        y = y * (1.5 - 0.5 * x * y * y)
    return y


def _make_sc_kernel(batch):
    b_per_w = batch // NW
    n_chunks = b_per_w // CHUNK
    n_groups = b_per_w // L
    mesh = plsc.VectorSubcoreMesh(
        core_axis_name="c", subcore_axis_name="s", num_cores=NC, num_subcores=NS
    )

    @functools.partial(
        pl.kernel,
        out_type=jax.ShapeDtypeStruct((batch,), jnp.float32),
        mesh=mesh,
        scratch_types=[
            pltpu.VMEM((n_chunks, CHUNK), jnp.int32),
            pltpu.VMEM((n_chunks, CHUNK), jnp.int32),
            pltpu.VMEM((b_per_w, EMBED_DIM), jnp.float32),
            pltpu.VMEM((b_per_w, EMBED_DIM), jnp.float32),
            pltpu.VMEM((b_per_w,), jnp.float32),
            pltpu.SemaphoreType.DMA,
        ],
        compiler_params=pltpu.CompilerParams(
            needs_layout_passes=False, use_tc_tiling_on_sc=False
        ),
    )
    def sc_kernel(utab_hbm, ntab_hbm, uids_hbm, nids_hbm, out_hbm,
                  uidx_v, nidx_v, urows_v, nrows_v, scores_v, sem):
        wid = lax.axis_index("s") * NC + lax.axis_index("c")
        base = wid * b_per_w

        pltpu.sync_copy(uids_hbm.at[wid], uidx_v)
        pltpu.sync_copy(nids_hbm.at[wid], nidx_v)

        copies = []
        for j in range(n_chunks):
            dst = pl.ds(j * CHUNK, CHUNK)
            copies.append(pltpu.async_copy(utab_hbm.at[uidx_v.at[j]], urows_v.at[dst], sem))
            copies.append(pltpu.async_copy(ntab_hbm.at[nidx_v.at[j]], nrows_v.at[dst], sem))
        for c in copies:
            c.wait()

        iota16 = lax.iota(jnp.int32, L)
        zero = jnp.zeros((L,), jnp.float32)
        tiny = jnp.full((L,), 1e-36, jnp.float32)
        cap = jnp.full((L,), 1e12, jnp.float32)

        def g_body(g, _):
            rows = g * L + iota16

            def d_body(d, carry):
                un, uu, nn = carry
                cols = jnp.full((L,), d, jnp.int32)
                u = plsc.load_gather(urows_v, [rows, cols])
                n = plsc.load_gather(nrows_v, [rows, cols])
                return (un + u * n, uu + u * u, nn + n * n)

            un, uu, nn = lax.fori_loop(0, EMBED_DIM, d_body, (zero, zero, zero))
            inv_u = jnp.minimum(_rsqrt_nr(jnp.maximum(uu, tiny)), cap)
            inv_n = jnp.minimum(_rsqrt_nr(jnp.maximum(nn, tiny)), cap)
            scores_v[pl.ds(g * L, L)] = un * inv_u * inv_n
            return 0

        lax.fori_loop(0, n_groups, g_body, 0)
        pltpu.sync_copy(scores_v, out_hbm.at[pl.ds(base, b_per_w)])

    return sc_kernel


def kernel(user_ids, nonprofit_ids, user_table, nonprofit_table):
    batch = user_ids.shape[0]
    uids3 = user_ids.astype(jnp.int32).reshape(NW, batch // NW // CHUNK, CHUNK)
    nids3 = nonprofit_ids.astype(jnp.int32).reshape(NW, batch // NW // CHUNK, CHUNK)
    return _make_sc_kernel(batch)(user_table, nonprofit_table, uids3, nids3)

# --- scband reference (transcript-rebuilt; emitter-appended) ---
"""Pipeline reference for scband-two-tower-model-66795331387999 (READ-ONLY COPY).

The authoritative reference and input builder live on the scoring server;
editing this copy changes nothing except your own understanding.
"""

import jax, jax.numpy as jnp
import numpy as np

NUM_USERS = 1000000
NUM_NONPROFITS = 100000
EMBED_DIM = 32
BATCH = 16384


def setup_inputs(seed: int = 0) -> dict:
    key = jax.random.key(seed)
    k1, k2, k3, k4 = jax.random.split(key, 4)
    user_ids = jax.random.randint(k1, (BATCH,), 0, NUM_USERS, dtype=jnp.int64 if jax.config.read('jax_enable_x64') else jnp.int32)
    nonprofit_ids = jax.random.randint(k2, (BATCH,), 0, NUM_NONPROFITS, dtype=jnp.int64 if jax.config.read('jax_enable_x64') else jnp.int32)
    user_table = jax.random.normal(k3, (NUM_USERS, EMBED_DIM), dtype=jnp.float32)
    nonprofit_table = jax.random.normal(k4, (NUM_NONPROFITS, EMBED_DIM), dtype=jnp.float32)
    return {
        'user_ids': user_ids,
        'nonprofit_ids': nonprofit_ids,
        'user_table': user_table,
        'nonprofit_table': nonprofit_table,
    }


def _normalize(x, eps=1e-12):
    norm = jnp.sqrt(jnp.sum(x * x, axis=-1, keepdims=True))
    return x / jnp.maximum(norm, eps)


def reference(user_ids, nonprofit_ids, user_table, nonprofit_table):
    u_emb = jnp.take(user_table, user_ids, axis=0)
    n_emb = jnp.take(nonprofit_table, nonprofit_ids, axis=0)
    u_emb = _normalize(u_emb)
    n_emb = _normalize(n_emb)
    scores = jnp.sum(u_emb * n_emb, axis=-1)
    return scores

if __name__ == "__main__":
    import jax
    _d = setup_inputs()
    print(jax.jit(kernel)(*tuple(_d.values())))

</pallas_src>

<mosaic_0001>
#map = affine_map<(d0, d1) -> (0, 0)>
#map1 = affine_map<(d0, d1) -> (0, 0, 0)>
#map2 = affine_map<(d0, d1) -> (0)>
module attributes {stable_mosaic.version = 14 : i64} {
  func.func @sc_kernel(%arg0: i32, %arg1: i32, %arg2: memref<1000000x32xf32, #tpu.memory_space<hbm>>, %arg3: memref<100000x32xf32, #tpu.memory_space<hbm>>, %arg4: memref<32x4x128xi32, #tpu.memory_space<hbm>>, %arg5: memref<32x4x128xi32, #tpu.memory_space<hbm>>, %arg6: memref<16384xf32, #tpu.memory_space<hbm>>, %arg7: memref<4x128xi32, #tpu.memory_space<vmem>>, %arg8: memref<4x128xi32, #tpu.memory_space<vmem>>, %arg9: memref<512x32xf32, #tpu.memory_space<vmem>>, %arg10: memref<512x32xf32, #tpu.memory_space<vmem>>, %arg11: memref<512xf32, #tpu.memory_space<vmem>>, %arg12: memref<!tpu.dma_semaphore, #tpu.memory_space<semaphore_mem>>) attributes {dimension_semantics = [#tpu.dimension_semantics<core_parallel>, #tpu.dimension_semantics<subcore_parallel>], iteration_bounds = array<i64: 2, 16>, scalar_prefetch = 0 : i64, scratch_operands = 6 : i64, tpu.core_type = #tpu.core_type<sc_vector_subcore>, window_params = [{transform_indices = #map}, {transform_indices = #map}, {transform_indices = #map1}, {transform_indices = #map1}, {transform_indices = #map2}]} {
    %mul3A = arith.constant 2 : i32
    %mul3A_0 = arith.muli %arg1, %mul3A : i32
    %add3A = arith.addi %mul3A_0, %arg0 : i32
    %mul3A_1 = arith.constant 512 : i32
    %mul3A_2 = arith.muli %add3A, %mul3A_1 : i32
    "tpu.region"() ({
      %run_scoped3A = tpu.sem_alloc : memref<!tpu.dma_semaphore, #tpu.memory_space<semaphore_mem>>
      %dma_start3A_172 = arith.constant 0 : i32
      %dma_start3A_173 = arith.constant 0 : i32
      %dma_start3A_174 = tpu.memref_slice %arg4[%add3A, %dma_start3A_172, %dma_start3A_173] : memref<32x4x128xi32, #tpu.memory_space<hbm>> -> memref<1x4x128xi32, #tpu.memory_space<hbm>>
      %dma_start3A_175 = tpu.memref_squeeze %dma_start3A_174 : memref<1x4x128xi32, #tpu.memory_space<hbm>> -> memref<4x128xi32, #tpu.memory_space<hbm>>
      %dma_start3A_176 = arith.constant 0 : i32
      %dma_start3A_177 = arith.constant 0 : i32
      %dma_start3A_178 = tpu.memref_slice %arg4[%add3A, %dma_start3A_176, %dma_start3A_177] : memref<32x4x128xi32, #tpu.memory_space<hbm>> -> memref<1x4x128xi32, #tpu.memory_space<hbm>>
      %dma_start3A_179 = tpu.memref_squeeze %dma_start3A_178 : memref<1x4x128xi32, #tpu.memory_space<hbm>> -> memref<4x128xi32, #tpu.memory_space<hbm>>
      tpu.enqueue_dma source(%dma_start3A_179 : memref<4x128xi32, #tpu.memory_space<hbm>>) target(%arg7 : memref<4x128xi32, #tpu.memory_space<vmem>>) target_semaphore(%run_scoped3A : memref<!tpu.dma_semaphore, #tpu.memory_space<semaphore_mem>>)
      %dma_wait3A_180 = arith.constant 0 : i32
      %dma_wait3A_181 = arith.constant 0 : i32
      %dma_wait3A_182 = tpu.memref_slice %arg4[%add3A, %dma_wait3A_180, %dma_wait3A_181] : memref<32x4x128xi32, #tpu.memory_space<hbm>> -> memref<1x4x128xi32, #tpu.memory_space<hbm>>
      %dma_wait3A_183 = tpu.memref_squeeze %dma_wait3A_182 : memref<1x4x128xi32, #tpu.memory_space<hbm>> -> memref<4x128xi32, #tpu.memory_space<hbm>>
      %dma_wait3A_184 = arith.constant 0 : i32
      %dma_wait3A_185 = arith.constant 0 : i32
      %dma_wait3A_186 = tpu.memref_slice %arg4[%add3A, %dma_wait3A_184, %dma_wait3A_185] : memref<32x4x128xi32, #tpu.memory_space<hbm>> -> memref<1x4x128xi32, #tpu.memory_space<hbm>>
      %dma_wait3A_187 = tpu.memref_squeeze %dma_wait3A_186 : memref<1x4x128xi32, #tpu.memory_space<hbm>> -> memref<4x128xi32, #tpu.memory_space<hbm>>
      tpu.wait_dma2 semaphore(%run_scoped3A : memref<!tpu.dma_semaphore, #tpu.memory_space<semaphore_mem>>) src(%dma_wait3A_187 : memref<4x128xi32, #tpu.memory_space<hbm>>) dst(%arg7 : memref<4x128xi32, #tpu.memory_space<vmem>>)
      tpu.yield
    }) : () -> ()
    "tpu.region"() ({
      %run_scoped3A = tpu.sem_alloc : memref<!tpu.dma_semaphore, #tpu.memory_space<semaphore_mem>>
      %dma_start3A_172 = arith.constant 0 : i32
      %dma_start3A_173 = arith.constant 0 : i32
      %dma_start3A_174 = tpu.memref_slice %arg5[%add3A, %dma_start3A_172, %dma_start3A_173] : memref<32x4x128xi32, #tpu.memory_space<hbm>> -> memref<1x4x128xi32, #tpu.memory_space<hbm>>
      %dma_start3A_175 = tpu.memref_squeeze %dma_start3A_174 : memref<1x4x128xi32, #tpu.memory_space<hbm>> -> memref<4x128xi32, #tpu.memory_space<hbm>>
      %dma_start3A_176 = arith.constant 0 : i32
      %dma_start3A_177 = arith.constant 0 : i32
      %dma_start3A_178 = tpu.memref_slice %arg5[%add3A, %dma_start3A_176, %dma_start3A_177] : memref<32x4x128xi32, #tpu.memory_space<hbm>> -> memref<1x4x128xi32, #tpu.memory_space<hbm>>
      %dma_start3A_179 = tpu.memref_squeeze %dma_start3A_178 : memref<1x4x128xi32, #tpu.memory_space<hbm>> -> memref<4x128xi32, #tpu.memory_space<hbm>>
      tpu.enqueue_dma source(%dma_start3A_179 : memref<4x128xi32, #tpu.memory_space<hbm>>) target(%arg8 : memref<4x128xi32, #tpu.memory_space<vmem>>) target_semaphore(%run_scoped3A : memref<!tpu.dma_semaphore, #tpu.memory_space<semaphore_mem>>)
      %dma_wait3A_180 = arith.constant 0 : i32
      %dma_wait3A_181 = arith.constant 0 : i32
      %dma_wait3A_182 = tpu.memref_slice %arg5[%add3A, %dma_wait3A_180, %dma_wait3A_181] : memref<32x4x128xi32, #tpu.memory_space<hbm>> -> memref<1x4x128xi32, #tpu.memory_space<hbm>>
      %dma_wait3A_183 = tpu.memref_squeeze %dma_wait3A_182 : memref<1x4x128xi32, #tpu.memory_space<hbm>> -> memref<4x128xi32, #tpu.memory_space<hbm>>
      %dma_wait3A_184 = arith.constant 0 : i32
      %dma_wait3A_185 = arith.constant 0 : i32
      %dma_wait3A_186 = tpu.memref_slice %arg5[%add3A, %dma_wait3A_184, %dma_wait3A_185] : memref<32x4x128xi32, #tpu.memory_space<hbm>> -> memref<1x4x128xi32, #tpu.memory_space<hbm>>
      %dma_wait3A_187 = tpu.memref_squeeze %dma_wait3A_186 : memref<1x4x128xi32, #tpu.memory_space<hbm>> -> memref<4x128xi32, #tpu.memory_space<hbm>>
      tpu.wait_dma2 semaphore(%run_scoped3A : memref<!tpu.dma_semaphore, #tpu.memory_space<semaphore_mem>>) src(%dma_wait3A_187 : memref<4x128xi32, #tpu.memory_space<hbm>>) dst(%arg8 : memref<4x128xi32, #tpu.memory_space<vmem>>)
      tpu.yield
    }) : () -> ()
    %dma_start3A = arith.constant 0 : i32
    %dma_start3A_3 = arith.constant 0 : i32
    %dma_start3A_4 = arith.constant 0 : i32
    %dma_start3A_5 = tpu.memref_slice %arg9[%dma_start3A_3, %dma_start3A_4] : memref<512x32xf32, #tpu.memory_space<vmem>> -> memref<128x32xf32, #tpu.memory_space<vmem>>
    %dma_start3A_6 = arith.constant 0 : i32
    %dma_start3A_7 = tpu.memref_slice %arg7[%dma_start3A, %dma_start3A_6] : memref<4x128xi32, #tpu.memory_space<vmem>> -> memref<1x128xi32, #tpu.memory_space<vmem>>
    %dma_start3A_8 = tpu.memref_squeeze %dma_start3A_7 : memref<1x128xi32, #tpu.memory_space<vmem>> -> memref<128xi32, #tpu.memory_space<vmem>>
    %dma_start3A_9 = arith.constant 0 : i32
    %dma_start3A_10 = arith.constant 0 : i32
    %dma_start3A_11 = tpu.memref_slice %arg2[%dma_start3A_9, %dma_start3A_10] : memref<1000000x32xf32, #tpu.memory_space<hbm>> -> memref<1000000x32xf32, #tpu.memory_space<hbm>>
    tpu.enqueue_indirect_dma source(%dma_start3A_11 : memref<1000000x32xf32, #tpu.memory_space<hbm>>) target(%dma_start3A_5 : memref<128x32xf32, #tpu.memory_space<vmem>>) offsets(%dma_start3A_8 : memref<128xi32, #tpu.memory_space<vmem>>) semaphore(%arg12 : memref<!tpu.dma_semaphore, #tpu.memory_space<semaphore_mem>>)
    %dma_start3A_12 = arith.constant 0 : i32
    %dma_start3A_13 = arith.constant 0 : i32
    %dma_start3A_14 = arith.constant 0 : i32
    %dma_start3A_15 = tpu.memref_slice %arg10[%dma_start3A_13, %dma_start3A_14] : memref<512x32xf32, #tpu.memory_space<vmem>> -> memref<128x32xf32, #tpu.memory_space<vmem>>
    %dma_start3A_16 = arith.constant 0 : i32
    %dma_start3A_17 = tpu.memref_slice %arg8[%dma_start3A_12, %dma_start3A_16] : memref<4x128xi32, #tpu.memory_space<vmem>> -> memref<1x128xi32, #tpu.memory_space<vmem>>
    %dma_start3A_18 = tpu.memref_squeeze %dma_start3A_17 : memref<1x128xi32, #tpu.memory_space<vmem>> -> memref<128xi32, #tpu.memory_space<vmem>>
    %dma_start3A_19 = arith.constant 0 : i32
    %dma_start3A_20 = arith.constant 0 : i32
    %dma_start3A_21 = tpu.memref_slice %arg3[%dma_start3A_19, %dma_start3A_20] : memref<100000x32xf32, #tpu.memory_space<hbm>> -> memref<100000x32xf32, #tpu.memory_space<hbm>>
    tpu.enqueue_indirect_dma source(%dma_start3A_21 : memref<100000x32xf32, #tpu.memory_space<hbm>>) target(%dma_start3A_15 : memref<128x32xf32, #tpu.memory_space<vmem>>) offsets(%dma_start3A_18 : memref<128xi32, #tpu.memory_space<vmem>>) semaphore(%arg12 : memref<!tpu.dma_semaphore, #tpu.memory_space<semaphore_mem>>)
    %dma_start3A_22 = arith.constant 1 : i32
    %dma_start3A_23 = arith.constant 128 : i32
    %dma_start3A_24 = arith.constant 0 : i32
    %dma_start3A_25 = tpu.memref_slice %arg9[%dma_start3A_23, %dma_start3A_24] : memref<512x32xf32, #tpu.memory_space<vmem>> -> memref<128x32xf32, #tpu.memory_space<vmem>>
    %dma_start3A_26 = arith.constant 0 : i32
    %dma_start3A_27 = tpu.memref_slice %arg7[%dma_start3A_22, %dma_start3A_26] : memref<4x128xi32, #tpu.memory_space<vmem>> -> memref<1x128xi32, #tpu.memory_space<vmem>>
    %dma_start3A_28 = tpu.memref_squeeze %dma_start3A_27 : memref<1x128xi32, #tpu.memory_space<vmem>> -> memref<128xi32, #tpu.memory_space<vmem>>
    %dma_start3A_29 = arith.constant 0 : i32
    %dma_start3A_30 = arith.constant 0 : i32
    %dma_start3A_31 = tpu.memref_slice %arg2[%dma_start3A_29, %dma_start3A_30] : memref<1000000x32xf32, #tpu.memory_space<hbm>> -> memref<1000000x32xf32, #tpu.memory_space<hbm>>
    tpu.enqueue_indirect_dma source(%dma_start3A_31 : memref<1000000x32xf32, #tpu.memory_space<hbm>>) target(%dma_start3A_25 : memref<128x32xf32, #tpu.memory_space<vmem>>) offsets(%dma_start3A_28 : memref<128xi32, #tpu.memory_space<vmem>>) semaphore(%arg12 : memref<!tpu.dma_semaphore, #tpu.memory_space<semaphore_mem>>)
    %dma_start3A_32 = arith.constant 1 : i32
    %dma_start3A_33 = arith.constant 128 : i32
    %dma_start3A_34 = arith.constant 0 : i32
    %dma_start3A_35 = tpu.memref_slice %arg10[%dma_start3A_33, %dma_start3A_34] : memref<512x32xf32, #tpu.memory_space<vmem>> -> memref<128x32xf32, #tpu.memory_space<vmem>>
    %dma_start3A_36 = arith.constant 0 : i32
    %dma_start3A_37 = tpu.memref_slice %arg8[%dma_start3A_32, %dma_start3A_36] : memref<4x128xi32, #tpu.memory_space<vmem>> -> memref<1x128xi32, #tpu.memory_space<vmem>>
    %dma_start3A_38 = tpu.memref_squeeze %dma_start3A_37 : memref<1x128xi32, #tpu.memory_space<vmem>> -> memref<128xi32, #tpu.memory_space<vmem>>
    %dma_start3A_39 = arith.constant 0 : i32
    %dma_start3A_40 = arith.constant 0 : i32
    %dma_start3A_41 = tpu.memref_slice %arg3[%dma_start3A_39, %dma_start3A_40] : memref<100000x32xf32, #tpu.memory_space<hbm>> -> memref<100000x32xf32, #tpu.memory_space<hbm>>
    tpu.enqueue_indirect_dma source(%dma_start3A_41 : memref<100000x32xf32, #tpu.memory_space<hbm>>) target(%dma_start3A_35 : memref<128x32xf32, #tpu.memory_space<vmem>>) offsets(%dma_start3A_38 : memref<128xi32, #tpu.memory_space<vmem>>) semaphore(%arg12 : memref<!tpu.dma_semaphore, #tpu.memory_space<semaphore_mem>>)
    %dma_start3A_42 = arith.constant 2 : i32
    %dma_start3A_43 = arith.constant 256 : i32
    %dma_start3A_44 = arith.constant 0 : i32
    %dma_start3A_45 = tpu.memref_slice %arg9[%dma_start3A_43, %dma_start3A_44] : memref<512x32xf32, #tpu.memory_space<vmem>> -> memref<128x32xf32, #tpu.memory_space<vmem>>
    %dma_start3A_46 = arith.constant 0 : i32
    %dma_start3A_47 = tpu.memref_slice %arg7[%dma_start3A_42, %dma_start3A_46] : memref<4x128xi32, #tpu.memory_space<vmem>> -> memref<1x128xi32, #tpu.memory_space<vmem>>
    %dma_start3A_48 = tpu.memref_squeeze %dma_start3A_47 : memref<1x128xi32, #tpu.memory_space<vmem>> -> memref<128xi32, #tpu.memory_space<vmem>>
    %dma_start3A_49 = arith.constant 0 : i32
    %dma_start3A_50 = arith.constant 0 : i32
    %dma_start3A_51 = tpu.memref_slice %arg2[%dma_start3A_49, %dma_start3A_50] : memref<1000000x32xf32, #tpu.memory_space<hbm>> -> memref<1000000x32xf32, #tpu.memory_space<hbm>>
    tpu.enqueue_indirect_dma source(%dma_start3A_51 : memref<1000000x32xf32, #tpu.memory_space<hbm>>) target(%dma_start3A_45 : memref<128x32xf32, #tpu.memory_space<vmem>>) offsets(%dma_start3A_48 : memref<128xi32, #tpu.memory_space<vmem>>) semaphore(%arg12 : memref<!tpu.dma_semaphore, #tpu.memory_space<semaphore_mem>>)
    %dma_start3A_52 = arith.constant 2 : i32
    %dma_start3A_53 = arith.constant 256 : i32
    %dma_start3A_54 = arith.constant 0 : i32
    %dma_start3A_55 = tpu.memref_slice %arg10[%dma_start3A_53, %dma_start3A_54] : memref<512x32xf32, #tpu.memory_space<vmem>> -> memref<128x32xf32, #tpu.memory_space<vmem>>
    %dma_start3A_56 = arith.constant 0 : i32
    %dma_start3A_57 = tpu.memref_slice %arg8[%dma_start3A_52, %dma_start3A_56] : memref<4x128xi32, #tpu.memory_space<vmem>> -> memref<1x128xi32, #tpu.memory_space<vmem>>
    %dma_start3A_58 = tpu.memref_squeeze %dma_start3A_57 : memref<1x128xi32, #tpu.memory_space<vmem>> -> memref<128xi32, #tpu.memory_space<vmem>>
    %dma_start3A_59 = arith.constant 0 : i32
    %dma_start3A_60 = arith.constant 0 : i32
    %dma_start3A_61 = tpu.memref_slice %arg3[%dma_start3A_59, %dma_start3A_60] : memref<100000x32xf32, #tpu.memory_space<hbm>> -> memref<100000x32xf32, #tpu.memory_space<hbm>>
    tpu.enqueue_indirect_dma source(%dma_start3A_61 : memref<100000x32xf32, #tpu.memory_space<hbm>>) target(%dma_start3A_55 : memref<128x32xf32, #tpu.memory_space<vmem>>) offsets(%dma_start3A_58 : memref<128xi32, #tpu.memory_space<vmem>>) semaphore(%arg12 : memref<!tpu.dma_semaphore, #tpu.memory_space<semaphore_mem>>)
    %dma_start3A_62 = arith.constant 3 : i32
    %dma_start3A_63 = arith.constant 384 : i32
    %dma_start3A_64 = arith.constant 0 : i32
    %dma_start3A_65 = tpu.memref_slice %arg9[%dma_start3A_63, %dma_start3A_64] : memref<512x32xf32, #tpu.memory_space<vmem>> -> memref<128x32xf32, #tpu.memory_space<vmem>>
    %dma_start3A_66 = arith.constant 0 : i32
    %dma_start3A_67 = tpu.memref_slice %arg7[%dma_start3A_62, %dma_start3A_66] : memref<4x128xi32, #tpu.memory_space<vmem>> -> memref<1x128xi32, #tpu.memory_space<vmem>>
    %dma_start3A_68 = tpu.memref_squeeze %dma_start3A_67 : memref<1x128xi32, #tpu.memory_space<vmem>> -> memref<128xi32, #tpu.memory_space<vmem>>
    %dma_start3A_69 = arith.constant 0 : i32
    %dma_start3A_70 = arith.constant 0 : i32
    %dma_start3A_71 = tpu.memref_slice %arg2[%dma_start3A_69, %dma_start3A_70] : memref<1000000x32xf32, #tpu.memory_space<hbm>> -> memref<1000000x32xf32, #tpu.memory_space<hbm>>
    tpu.enqueue_indirect_dma source(%dma_start3A_71 : memref<1000000x32xf32, #tpu.memory_space<hbm>>) target(%dma_start3A_65 : memref<128x32xf32, #tpu.memory_space<vmem>>) offsets(%dma_start3A_68 : memref<128xi32, #tpu.memory_space<vmem>>) semaphore(%arg12 : memref<!tpu.dma_semaphore, #tpu.memory_space<semaphore_mem>>)
    %dma_start3A_72 = arith.constant 3 : i32
    %dma_start3A_73 = arith.constant 384 : i32
    %dma_start3A_74 = arith.constant 0 : i32
    %dma_start3A_75 = tpu.memref_slice %arg10[%dma_start3A_73, %dma_start3A_74] : memref<512x32xf32, #tpu.memory_space<vmem>> -> memref<128x32xf32, #tpu.memory_space<vmem>>
    %dma_start3A_76 = arith.constant 0 : i32
    %dma_start3A_77 = tpu.memref_slice %arg8[%dma_start3A_72, %dma_start3A_76] : memref<4x128xi32, #tpu.memory_space<vmem>> -> memref<1x128xi32, #tpu.memory_space<vmem>>
    %dma_start3A_78 = tpu.memref_squeeze %dma_start3A_77 : memref<1x128xi32, #tpu.memory_space<vmem>> -> memref<128xi32, #tpu.memory_space<vmem>>
    %dma_start3A_79 = arith.constant 0 : i32
    %dma_start3A_80 = arith.constant 0 : i32
    %dma_start3A_81 = tpu.memref_slice %arg3[%dma_start3A_79, %dma_start3A_80] : memref<100000x32xf32, #tpu.memory_space<hbm>> -> memref<100000x32xf32, #tpu.memory_space<hbm>>
    tpu.enqueue_indirect_dma source(%dma_start3A_81 : memref<100000x32xf32, #tpu.memory_space<hbm>>) target(%dma_start3A_75 : memref<128x32xf32, #tpu.memory_space<vmem>>) offsets(%dma_start3A_78 : memref<128xi32, #tpu.memory_space<vmem>>) semaphore(%arg12 : memref<!tpu.dma_semaphore, #tpu.memory_space<semaphore_mem>>)
    %dma_wait3A = arith.constant 0 : i32
    %dma_wait3A_82 = arith.constant 0 : i32
    %dma_wait3A_83 = arith.constant 0 : i32
    %dma_wait3A_84 = tpu.memref_slice %arg9[%dma_wait3A_82, %dma_wait3A_83] : memref<512x32xf32, #tpu.memory_space<vmem>> -> memref<128x32xf32, #tpu.memory_space<vmem>>
    %dma_wait3A_85 = arith.constant 0 : i32
    %dma_wait3A_86 = tpu.memref_slice %arg7[%dma_wait3A, %dma_wait3A_85] : memref<4x128xi32, #tpu.memory_space<vmem>> -> memref<1x128xi32, #tpu.memory_space<vmem>>
    %dma_wait3A_87 = tpu.memref_squeeze %dma_wait3A_86 : memref<1x128xi32, #tpu.memory_space<vmem>> -> memref<128xi32, #tpu.memory_space<vmem>>
    %dma_wait3A_88 = arith.constant 0 : i32
    %dma_wait3A_89 = arith.constant 0 : i32
    %dma_wait3A_90 = tpu.memref_slice %arg2[%dma_wait3A_88, %dma_wait3A_89] : memref<1000000x32xf32, #tpu.memory_space<hbm>> -> memref<1000000x32xf32, #tpu.memory_space<hbm>>
    tpu.wait_indirect_dma semaphore(%arg12 : memref<!tpu.dma_semaphore, #tpu.memory_space<semaphore_mem>>) src(%dma_wait3A_90 : memref<1000000x32xf32, #tpu.memory_space<hbm>>) dst(%dma_wait3A_84 : memref<128x32xf32, #tpu.memory_space<vmem>>)
    %dma_wait3A_91 = arith.constant 0 : i32
    %dma_wait3A_92 = arith.constant 0 : i32
    %dma_wait3A_93 = arith.constant 0 : i32
    %dma_wait3A_94 = tpu.memref_slice %arg10[%dma_wait3A_92, %dma_wait3A_93] : memref<512x32xf32, #tpu.memory_space<vmem>> -> memref<128x32xf32, #tpu.memory_space<vmem>>
    %dma_wait3A_95 = arith.constant 0 : i32
    %dma_wait3A_96 = tpu.memref_slice %arg8[%dma_wait3A_91, %dma_wait3A_95] : memref<4x128xi32, #tpu.memory_space<vmem>> -> memref<1x128xi32, #tpu.memory_space<vmem>>
    %dma_wait3A_97 = tpu.memref_squeeze %dma_wait3A_96 : memref<1x128xi32, #tpu.memory_space<vmem>> -> memref<128xi32, #tpu.memory_space<vmem>>
    %dma_wait3A_98 = arith.constant 0 : i32
    %dma_wait3A_99 = arith.constant 0 : i32
    %dma_wait3A_100 = tpu.memref_slice %arg3[%dma_wait3A_98, %dma_wait3A_99] : memref<100000x32xf32, #tpu.memory_space<hbm>> -> memref<100000x32xf32, #tpu.memory_space<hbm>>
    tpu.wait_indirect_dma semaphore(%arg12 : memref<!tpu.dma_semaphore, #tpu.memory_space<semaphore_mem>>) src(%dma_wait3A_100 : memref<100000x32xf32, #tpu.memory_space<hbm>>) dst(%dma_wait3A_94 : memref<128x32xf32, #tpu.memory_space<vmem>>)
    %dma_wait3A_101 = arith.constant 1 : i32
    %dma_wait3A_102 = arith.constant 128 : i32
    %dma_wait3A_103 = arith.constant 0 : i32
    %dma_wait3A_104 = tpu.memref_slice %arg9[%dma_wait3A_102, %dma_wait3A_103] : memref<512x32xf32, #tpu.memory_space<vmem>> -> memref<128x32xf32, #tpu.memory_space<vmem>>
    %dma_wait3A_105 = arith.constant 0 : i32
    %dma_wait3A_106 = tpu.memref_slice %arg7[%dma_wait3A_101, %dma_wait3A_105] : memref<4x128xi32, #tpu.memory_space<vmem>> -> memref<1x128xi32, #tpu.memory_space<vmem>>
    %dma_wait3A_107 = tpu.memref_squeeze %dma_wait3A_106 : memref<1x128xi32, #tpu.memory_space<vmem>> -> memref<128xi32, #tpu.memory_space<vmem>>
    %dma_wait3A_108 = arith.constant 0 : i32
    %dma_wait3A_109 = arith.constant 0 : i32
    %dma_wait3A_110 = tpu.memref_slice %arg2[%dma_wait3A_108, %dma_wait3A_109] : memref<1000000x32xf32, #tpu.memory_space<hbm>> -> memref<1000000x32xf32, #tpu.memory_space<hbm>>
    tpu.wait_indirect_dma semaphore(%arg12 : memref<!tpu.dma_semaphore, #tpu.memory_space<semaphore_mem>>) src(%dma_wait3A_110 : memref<1000000x32xf32, #tpu.memory_space<hbm>>) dst(%dma_wait3A_104 : memref<128x32xf32, #tpu.memory_space<vmem>>)
    %dma_wait3A_111 = arith.constant 1 : i32
    %dma_wait3A_112 = arith.constant 128 : i32
    %dma_wait3A_113 = arith.constant 0 : i32
    %dma_wait3A_114 = tpu.memref_slice %arg10[%dma_wait3A_112, %dma_wait3A_113] : memref<512x32xf32, #tpu.memory_space<vmem>> -> memref<128x32xf32, #tpu.memory_space<vmem>>
    %dma_wait3A_115 = arith.constant 0 : i32
    %dma_wait3A_116 = tpu.memref_slice %arg8[%dma_wait3A_111, %dma_wait3A_115] : memref<4x128xi32, #tpu.memory_space<vmem>> -> memref<1x128xi32, #tpu.memory_space<vmem>>
    %dma_wait3A_117 = tpu.memref_squeeze %dma_wait3A_116 : memref<1x128xi32, #tpu.memory_space<vmem>> -> memref<128xi32, #tpu.memory_space<vmem>>
    %dma_wait3A_118 = arith.constant 0 : i32
    %dma_wait3A_119 = arith.constant 0 : i32
    %dma_wait3A_120 = tpu.memref_slice %arg3[%dma_wait3A_118, %dma_wait3A_119] : memref<100000x32xf32, #tpu.memory_space<hbm>> -> memref<100000x32xf32, #tpu.memory_space<hbm>>
    tpu.wait_indirect_dma semaphore(%arg12 : memref<!tpu.dma_semaphore, #tpu.memory_space<semaphore_mem>>) src(%dma_wait3A_120 : memref<100000x32xf32, #tpu.memory_space<hbm>>) dst(%dma_wait3A_114 : memref<128x32xf32, #tpu.memory_space<vmem>>)
    %dma_wait3A_121 = arith.constant 2 : i32
    %dma_wait3A_122 = arith.constant 256 : i32
    %dma_wait3A_123 = arith.constant 0 : i32
    %dma_wait3A_124 = tpu.memref_slice %arg9[%dma_wait3A_122, %dma_wait3A_123] : memref<512x32xf32, #tpu.memory_space<vmem>> -> memref<128x32xf32, #tpu.memory_space<vmem>>
    %dma_wait3A_125 = arith.constant 0 : i32
    %dma_wait3A_126 = tpu.memref_slice %arg7[%dma_wait3A_121, %dma_wait3A_125] : memref<4x128xi32, #tpu.memory_space<vmem>> -> memref<1x128xi32, #tpu.memory_space<vmem>>
    %dma_wait3A_127 = tpu.memref_squeeze %dma_wait3A_126 : memref<1x128xi32, #tpu.memory_space<vmem>> -> memref<128xi32, #tpu.memory_space<vmem>>
    %dma_wait3A_128 = arith.constant 0 : i32
    %dma_wait3A_129 = arith.constant 0 : i32
    %dma_wait3A_130 = tpu.memref_slice %arg2[%dma_wait3A_128, %dma_wait3A_129] : memref<1000000x32xf32, #tpu.memory_space<hbm>> -> memref<1000000x32xf32, #tpu.memory_space<hbm>>
    tpu.wait_indirect_dma semaphore(%arg12 : memref<!tpu.dma_semaphore, #tpu.memory_space<semaphore_mem>>) src(%dma_wait3A_130 : memref<1000000x32xf32, #tpu.memory_space<hbm>>) dst(%dma_wait3A_124 : memref<128x32xf32, #tpu.memory_space<vmem>>)
    %dma_wait3A_131 = arith.constant 2 : i32
    %dma_wait3A_132 = arith.constant 256 : i32
    %dma_wait3A_133 = arith.constant 0 : i32
    %dma_wait3A_134 = tpu.memref_slice %arg10[%dma_wait3A_132, %dma_wait3A_133] : memref<512x32xf32, #tpu.memory_space<vmem>> -> memref<128x32xf32, #tpu.memory_space<vmem>>
    %dma_wait3A_135 = arith.constant 0 : i32
    %dma_wait3A_136 = tpu.memref_slice %arg8[%dma_wait3A_131, %dma_wait3A_135] : memref<4x128xi32, #tpu.memory_space<vmem>> -> memref<1x128xi32, #tpu.memory_space<vmem>>
    %dma_wait3A_137 = tpu.memref_squeeze %dma_wait3A_136 : memref<1x128xi32, #tpu.memory_space<vmem>> -> memref<128xi32, #tpu.memory_space<vmem>>
    %dma_wait3A_138 = arith.constant 0 : i32
    %dma_wait3A_139 = arith.constant 0 : i32
    %dma_wait3A_140 = tpu.memref_slice %arg3[%dma_wait3A_138, %dma_wait3A_139] : memref<100000x32xf32, #tpu.memory_space<hbm>> -> memref<100000x32xf32, #tpu.memory_space<hbm>>
    tpu.wait_indirect_dma semaphore(%arg12 : memref<!tpu.dma_semaphore, #tpu.memory_space<semaphore_mem>>) src(%dma_wait3A_140 : memref<100000x32xf32, #tpu.memory_space<hbm>>) dst(%dma_wait3A_134 : memref<128x32xf32, #tpu.memory_space<vmem>>)
    %dma_wait3A_141 = arith.constant 3 : i32
    %dma_wait3A_142 = arith.constant 384 : i32
    %dma_wait3A_143 = arith.constant 0 : i32
    %dma_wait3A_144 = tpu.memref_slice %arg9[%dma_wait3A_142, %dma_wait3A_143] : memref<512x32xf32, #tpu.memory_space<vmem>> -> memref<128x32xf32, #tpu.memory_space<vmem>>
    %dma_wait3A_145 = arith.constant 0 : i32
    %dma_wait3A_146 = tpu.memref_slice %arg7[%dma_wait3A_141, %dma_wait3A_145] : memref<4x128xi32, #tpu.memory_space<vmem>> -> memref<1x128xi32, #tpu.memory_space<vmem>>
    %dma_wait3A_147 = tpu.memref_squeeze %dma_wait3A_146 : memref<1x128xi32, #tpu.memory_space<vmem>> -> memref<128xi32, #tpu.memory_space<vmem>>
    %dma_wait3A_148 = arith.constant 0 : i32
    %dma_wait3A_149 = arith.constant 0 : i32
    %dma_wait3A_150 = tpu.memref_slice %arg2[%dma_wait3A_148, %dma_wait3A_149] : memref<1000000x32xf32, #tpu.memory_space<hbm>> -> memref<1000000x32xf32, #tpu.memory_space<hbm>>
    tpu.wait_indirect_dma semaphore(%arg12 : memref<!tpu.dma_semaphore, #tpu.memory_space<semaphore_mem>>) src(%dma_wait3A_150 : memref<1000000x32xf32, #tpu.memory_space<hbm>>) dst(%dma_wait3A_144 : memref<128x32xf32, #tpu.memory_space<vmem>>)
    %dma_wait3A_151 = arith.constant 3 : i32
    %dma_wait3A_152 = arith.constant 384 : i32
    %dma_wait3A_153 = arith.constant 0 : i32
    %dma_wait3A_154 = tpu.memref_slice %arg10[%dma_wait3A_152, %dma_wait3A_153] : memref<512x32xf32, #tpu.memory_space<vmem>> -> memref<128x32xf32, #tpu.memory_space<vmem>>
    %dma_wait3A_155 = arith.constant 0 : i32
    %dma_wait3A_156 = tpu.memref_slice %arg8[%dma_wait3A_151, %dma_wait3A_155] : memref<4x128xi32, #tpu.memory_space<vmem>> -> memref<1x128xi32, #tpu.memory_space<vmem>>
    %dma_wait3A_157 = tpu.memref_squeeze %dma_wait3A_156 : memref<1x128xi32, #tpu.memory_space<vmem>> -> memref<128xi32, #tpu.memory_space<vmem>>
    %dma_wait3A_158 = arith.constant 0 : i32
    %dma_wait3A_159 = arith.constant 0 : i32
    %dma_wait3A_160 = tpu.memref_slice %arg3[%dma_wait3A_158, %dma_wait3A_159] : memref<100000x32xf32, #tpu.memory_space<hbm>> -> memref<100000x32xf32, #tpu.memory_space<hbm>>
    tpu.wait_indirect_dma semaphore(%arg12 : memref<!tpu.dma_semaphore, #tpu.memory_space<semaphore_mem>>) src(%dma_wait3A_160 : memref<100000x32xf32, #tpu.memory_space<hbm>>) dst(%dma_wait3A_154 : memref<128x32xf32, #tpu.memory_space<vmem>>)
    %iota3A = tpu.iota {dimensions = array<i32: 0>} : vector<16xi32>
    %broadcast_in_dim3A = arith.constant 0.000000e+00 : f32
    %broadcast_in_dim3A_161 = vector.broadcast %broadcast_in_dim3A : f32 to vector<16xf32>
    %broadcast_in_dim3A_162 = arith.constant 1.000000e-36 : f32
    %broadcast_in_dim3A_163 = vector.broadcast %broadcast_in_dim3A_162 : f32 to vector<16xf32>
    %broadcast_in_dim3A_164 = arith.constant 9.99999995E+11 : f32
    %broadcast_in_dim3A_165 = vector.broadcast %broadcast_in_dim3A_164 : f32 to vector<16xf32>
    %scan3A = arith.constant 0 : i32
    %scan3A_166 = arith.constant 0 : i32
    %scan3A_167 = arith.constant 32 : i32
    %scan3A_168 = arith.addi %scan3A_166, %scan3A_167 : i32
    %scan3A_169 = arith.constant 1 : i32
    %scan3A_170 = scf.for %scan3A_172 = %scan3A_166 to %scan3A_168 step %scan3A_169 iter_args(%scan3A_173 = %scan3A) -> (i32)  : i32 {
      %mul3A_174 = arith.constant 16 : i32
      %mul3A_175 = arith.muli %scan3A_172, %mul3A_174 : i32
      %add3A_176 = vector.broadcast %mul3A_175 : i32 to vector<16xi32>
      %add3A_177 = arith.addi %add3A_176, %iota3A : vector<16xi32>
      %scan3A_178 = arith.constant 0 : i32
      %scan3A_179 = arith.constant 32 : i32
      %scan3A_180 = arith.addi %scan3A_178, %scan3A_179 : i32
      %scan3A_181 = arith.constant 1 : i32
      %scan3A_182:3 = scf.for %scan3A_259 = %scan3A_178 to %scan3A_180 step %scan3A_181 iter_args(%scan3A_260 = %broadcast_in_dim3A_161, %scan3A_261 = %broadcast_in_dim3A_161, %scan3A_262 = %broadcast_in_dim3A_161) -> (vector<16xf32>, vector<16xf32>, vector<16xf32>)  : i32 {
        %broadcast_in_dim3A_263 = vector.broadcast %scan3A_259 : i32 to vector<16xi32>
        %gather3A = tpu.vector_load_idx %arg9[%add3A_177, %broadcast_in_dim3A_263] : memref<512x32xf32, #tpu.memory_space<vmem>>[vector<16xi32>, vector<16xi32>], vector<16xf32>,
        %gather3A_264 = tpu.vector_load_idx %arg10[%add3A_177, %broadcast_in_dim3A_263] : memref<512x32xf32, #tpu.memory_space<vmem>>[vector<16xi32>, vector<16xi32>], vector<16xf32>,
        %mul3A_265 = arith.mulf %gather3A, %gather3A_264 : vector<16xf32>
        %add3A_266 = arith.addf %scan3A_260, %mul3A_265 : vector<16xf32>
        %mul3A_267 = arith.mulf %gather3A, %gather3A : vector<16xf32>
        %add3A_268 = arith.addf %scan3A_261, %mul3A_267 : vector<16xf32>
        %mul3A_269 = arith.mulf %gather3A_264, %gather3A_264 : vector<16xf32>
        %add3A_270 = arith.addf %scan3A_262, %mul3A_269 : vector<16xf32>
        scf.yield %add3A_266, %add3A_268, %add3A_270 : vector<16xf32>, vector<16xf32>, vector<16xf32>
      }
      %scan3A_183 = arith.constant 32 : i32
      %max3A = arith.maximumf %scan3A_182#1, %broadcast_in_dim3A_163 : vector<16xf32>
      %bitcast_convert_type3A = tpu.bitcast %max3A : vector<16xf32> -> vector<16xi32>
      %shift_right_arithmetic3A = arith.constant 1 : i32
      %shift_right_arithmetic3A_184 = vector.broadcast %shift_right_arithmetic3A : i32 to vector<16xi32>
      %shift_right_arithmetic3A_185 = arith.shrsi %bitcast_convert_type3A, %shift_right_arithmetic3A_184 : vector<16xi32>
      %sub3A = arith.constant 1597463007 : i32
      %sub3A_186 = vector.broadcast %sub3A : i32 to vector<16xi32>
      %sub3A_187 = arith.subi %sub3A_186, %shift_right_arithmetic3A_185 : vector<16xi32>
      %bitcast_convert_type3A_188 = tpu.bitcast %sub3A_187 : vector<16xi32> -> vector<16xf32>
      %mul3A_189 = arith.constant 5.000000e-01 : f32
      %mul3A_190 = vector.broadcast %mul3A_189 : f32 to vector<16xf32>
      %mul3A_191 = arith.mulf %mul3A_190, %max3A : vector<16xf32>
      %mul3A_192 = arith.mulf %mul3A_191, %bitcast_convert_type3A_188 : vector<16xf32>
      %mul3A_193 = arith.mulf %mul3A_192, %bitcast_convert_type3A_188 : vector<16xf32>
      %sub3A_194 = arith.constant 1.500000e+00 : f32
      %sub3A_195 = vector.broadcast %sub3A_194 : f32 to vector<16xf32>
      %sub3A_196 = arith.subf %sub3A_195, %mul3A_193 : vector<16xf32>
      %mul3A_197 = arith.mulf %bitcast_convert_type3A_188, %sub3A_196 : vector<16xf32>
      %mul3A_198 = arith.constant 5.000000e-01 : f32
      %mul3A_199 = vector.broadcast %mul3A_198 : f32 to vector<16xf32>
      %mul3A_200 = arith.mulf %mul3A_199, %max3A : vector<16xf32>
      %mul3A_201 = arith.mulf %mul3A_200, %mul3A_197 : vector<16xf32>
      %mul3A_202 = arith.mulf %mul3A_201, %mul3A_197 : vector<16xf32>
      %sub3A_203 = arith.constant 1.500000e+00 : f32
      %sub3A_204 = vector.broadcast %sub3A_203 : f32 to vector<16xf32>
      %sub3A_205 = arith.subf %sub3A_204, %mul3A_202 : vector<16xf32>
      %mul3A_206 = arith.mulf %mul3A_197, %sub3A_205 : vector<16xf32>
      %mul3A_207 = arith.constant 5.000000e-01 : f32
      %mul3A_208 = vector.broadcast %mul3A_207 : f32 to vector<16xf32>
      %mul3A_209 = arith.mulf %mul3A_208, %max3A : vector<16xf32>
      %mul3A_210 = arith.mulf %mul3A_209, %mul3A_206 : vector<16xf32>
      %mul3A_211 = arith.mulf %mul3A_210, %mul3A_206 : vector<16xf32>
      %sub3A_212 = arith.constant 1.500000e+00 : f32
      %sub3A_213 = vector.broadcast %sub3A_212 : f32 to vector<16xf32>
      %sub3A_214 = arith.subf %sub3A_213, %mul3A_211 : vector<16xf32>
      %mul3A_215 = arith.mulf %mul3A_206, %sub3A_214 : vector<16xf32>
      %min3A = arith.minimumf %mul3A_215, %broadcast_in_dim3A_165 : vector<16xf32>
      %max3A_216 = arith.maximumf %scan3A_182#2, %broadcast_in_dim3A_163 : vector<16xf32>
      %bitcast_convert_type3A_217 = tpu.bitcast %max3A_216 : vector<16xf32> -> vector<16xi32>
      %shift_right_arithmetic3A_218 = arith.constant 1 : i32
      %shift_right_arithmetic3A_219 = vector.broadcast %shift_right_arithmetic3A_218 : i32 to vector<16xi32>
      %shift_right_arithmetic3A_220 = arith.shrsi %bitcast_convert_type3A_217, %shift_right_arithmetic3A_219 : vector<16xi32>
      %sub3A_221 = arith.constant 1597463007 : i32
      %sub3A_222 = vector.broadcast %sub3A_221 : i32 to vector<16xi32>
      %sub3A_223 = arith.subi %sub3A_222, %shift_right_arithmetic3A_220 : vector<16xi32>
      %bitcast_convert_type3A_224 = tpu.bitcast %sub3A_223 : vector<16xi32> -> vector<16xf32>
      %mul3A_225 = arith.constant 5.000000e-01 : f32
      %mul3A_226 = vector.broadcast %mul3A_225 : f32 to vector<16xf32>
      %mul3A_227 = arith.mulf %mul3A_226, %max3A_216 : vector<16xf32>
      %mul3A_228 = arith.mulf %mul3A_227, %bitcast_convert_type3A_224 : vector<16xf32>
      %mul3A_229 = arith.mulf %mul3A_228, %bitcast_convert_type3A_224 : vector<16xf32>
      %sub3A_230 = arith.constant 1.500000e+00 : f32
      %sub3A_231 = vector.broadcast %sub3A_230 : f32 to vector<16xf32>
      %sub3A_232 = arith.subf %sub3A_231, %mul3A_229 : vector<16xf32>
      %mul3A_233 = arith.mulf %bitcast_convert_type3A_224, %sub3A_232 : vector<16xf32>
      %mul3A_234 = arith.constant 5.000000e-01 : f32
      %mul3A_235 = vector.broadcast %mul3A_234 : f32 to vector<16xf32>
      %mul3A_236 = arith.mulf %mul3A_235, %max3A_216 : vector<16xf32>
      %mul3A_237 = arith.mulf %mul3A_236, %mul3A_233 : vector<16xf32>
      %mul3A_238 = arith.mulf %mul3A_237, %mul3A_233 : vector<16xf32>
      %sub3A_239 = arith.constant 1.500000e+00 : f32
      %sub3A_240 = vector.broadcast %sub3A_239 : f32 to vector<16xf32>
      %sub3A_241 = arith.subf %sub3A_240, %mul3A_238 : vector<16xf32>
      %mul3A_242 = arith.mulf %mul3A_233, %sub3A_241 : vector<16xf32>
      %mul3A_243 = arith.constant 5.000000e-01 : f32
      %mul3A_244 = vector.broadcast %mul3A_243 : f32 to vector<16xf32>
      %mul3A_245 = arith.mulf %mul3A_244, %max3A_216 : vector<16xf32>
      %mul3A_246 = arith.mulf %mul3A_245, %mul3A_242 : vector<16xf32>
      %mul3A_247 = arith.mulf %mul3A_246, %mul3A_242 : vector<16xf32>
      %sub3A_248 = arith.constant 1.500000e+00 : f32
      %sub3A_249 = vector.broadcast %sub3A_248 : f32 to vector<16xf32>
      %sub3A_250 = arith.subf %sub3A_249, %mul3A_247 : vector<16xf32>
      %mul3A_251 = arith.mulf %mul3A_242, %sub3A_250 : vector<16xf32>
      %min3A_252 = arith.minimumf %mul3A_251, %broadcast_in_dim3A_165 : vector<16xf32>
      %mul3A_253 = arith.mulf %scan3A_182#0, %min3A : vector<16xf32>
      %mul3A_254 = arith.mulf %mul3A_253, %min3A_252 : vector<16xf32>
      %mul3A_255 = arith.constant 16 : i32
      %mul3A_256 = arith.muli %scan3A_172, %mul3A_255 : i32
      %swap3A = arith.index_cast %mul3A_256 : i32 to index
      %swap3A_257 = tpu.vector_load %arg11[%swap3A] {strides = array<i32>} : memref<512xf32, #tpu.memory_space<vmem>>, vector<16xf32>,
      tpu.vector_store %arg11[%swap3A], %mul3A_254 {strides = array<i32>} : memref<512xf32, #tpu.memory_space<vmem>>, vector<16xf32>,
      %scan3A_258 = arith.constant 0 : i32
      scf.yield %scan3A_258 : i32
    }
    %scan3A_171 = arith.constant 32 : i32
    "tpu.region"() ({
      %run_scoped3A = tpu.sem_alloc : memref<!tpu.dma_semaphore, #tpu.memory_space<semaphore_mem>>
      %dma_start3A_172 = tpu.memref_slice %arg6[%mul3A_2] : memref<16384xf32, #tpu.memory_space<hbm>> -> memref<512xf32, #tpu.memory_space<hbm>>
      %dma_start3A_173 = tpu.memref_slice %arg6[%mul3A_2] : memref<16384xf32, #tpu.memory_space<hbm>> -> memref<512xf32, #tpu.memory_space<hbm>>
      tpu.enqueue_dma source(%arg11 : memref<512xf32, #tpu.memory_space<vmem>>) target(%dma_start3A_173 : memref<512xf32, #tpu.memory_space<hbm>>) target_semaphore(%run_scoped3A : memref<!tpu.dma_semaphore, #tpu.memory_space<semaphore_mem>>)
      %dma_wait3A_174 = tpu.memref_slice %arg6[%mul3A_2] : memref<16384xf32, #tpu.memory_space<hbm>> -> memref<512xf32, #tpu.memory_space<hbm>>
      %dma_wait3A_175 = tpu.memref_slice %arg6[%mul3A_2] : memref<16384xf32, #tpu.memory_space<hbm>> -> memref<512xf32, #tpu.memory_space<hbm>>
      tpu.wait_dma2 semaphore(%run_scoped3A : memref<!tpu.dma_semaphore, #tpu.memory_space<semaphore_mem>>) src(%arg11 : memref<512xf32, #tpu.memory_space<vmem>>) dst(%dma_wait3A_175 : memref<512xf32, #tpu.memory_space<hbm>>)
      tpu.yield
    }) : () -> ()
    return
  }
}

</mosaic_0001>

<sc_bundles>
// kernel: kernel.3.cloned.1.call-start
scs
__scs_entry_jumppad:
0x0: {  	(pc) =	sbr.rel $0x88, $3  }
0x1: {  	(tag) =	ssettag $0x0;
	lr =	simm.s32 $0x1  }
0x2: {  	[smem:$0x3F9D] =	sst lr;
	_ =	strace $0xD0000000  }
0x3: {  	_ = 	snop  }
0x4: {  	_ = 	snop  }
0x5: {  	_ = 	snop  }
0x6: {  	_ = 	snop  }
0x7: {  	_ = 	snop  }
__scs_overlays_trampoline_lowered:
0x8: {  	[smem:$0x3FAC] =	sst s0  }
0x9: {  	[smem:$0x3FAD] =	sst s1  }
0xa: {  	[smem:$0x3FAE] =	sst s2  }
0xb: {  	[smem:$0x3FAF] =	sst s3  }
0xc: {  	[smem:$0x3FB0] =	sst s4  }
0xd: {  	[smem:$0x3FB1] =	sst s5  }
0xe: {  	[smem:$0x3FB2] =	sst s6  }
0xf: {  	[smem:$0x3FB3] =	sst s7  }
0x10: {  	[smem:$0x3FB4] =	sst s8  }
0x11: {  	[smem:$0x3FB5] =	sst s9;
	s0 =	simm.s32 @!p0 $0x0  }
0x12: {  	s1 =	sld [smem:$0x3F9B];
	s0 =	simm.s32 @p0 $0x1  }
0x13: {  	[smem:$0x3FB6] =	sst s0;
	s0 =	simm.s32 @!p1 $0x0  }
0x14: {  	s2 =	sld [smem:$0x3F9A];
	s0 =	simm.s32 @p1 $0x1  }
0x15: {  	[smem:$0x3FB7] =	sst s0;
	s0 =	simm.s32 @!p2 $0x0  }
0x16: {  	s3 =	sld [smem:$0x3FDB];
	s0 =	simm.s32 @p2 $0x1  }
0x17: {  	s4 =	simm.s32 $0x1BF5;
	[smem:$0x3FB9] =	sst s0  }
0x18: {  	s0 =	sld [smem:$0x3F9C];
	_ =	swait.ge [sflag:s4], $0x0  }
0x19: {  	s7 =	sld [smem:$0x3F9D]  }
0x1a: {  	s8 =	sadd.s32 $0xFFFFE003, lr  }
0x1b: {  	s9 =	sadd.s32 $0xFFFFFEF7, lr;
	s5 =	simm.s32 $0xFFFFFFFF;
	p2 =	slt.u32 s8, $0xFFFFF086  }
0x1c: {  	p1 =	slt.u32 s9, $0xF7A;
	s5 =	simm.s32 @!p2 $0x0  }
0x1d: {  	s5 =	simm.s32 @p1 $0x1;
	p0 =	seq.s32 s7, s2  }
0x1e: {  	s7 =	smul.u32 @!p0 $0xF7A, s2;
	p2 =	seq.s32 @!p0 s5, $0x0  }
0x1f: {  	s9 =	smul.u32 $0xF7A, s1;
	s8 =	simm.s32 @!p0 $0x1BF5;
	p2 =	por !p2, p0  }
0x20: {  	[sflag:s8] =	ssyncset.s32 @!p0 $0xFFFFF086;
	s6 =	sadd.s32 @!p0 s3, s7;
	s7 =	simm.s32 @!p0 $0x108  }
0x21: {  	s3 =	sadd.s32 s3, s9;
	s6 =	sadd.s32 @!p0 $0x88, s6;
	s7 =	simm.s32 @p2 $0x1082  }
0x22: {  	[simem:s7], [sflag:s8] =	dma.local @!p0 [hbm:s6], $0xF7A  }
0x23: {  	s9 =	sor.u32 $0xD0000000, s2;
	s6 =	simm.s32 $0x108;
	_ =	swait.ge @!p0 [sflag:s8], $0x0  }
0x24: {  	s3 =	sadd.s32 $0x88, s3;
	s6 =	simm.s32 @!p1 $0x1082;
	[sflag:s4] =	ssyncset.s32 $0xFFFFF086  }
0x25: {  	[simem:s6], [sflag:s4] =	dma.local [hbm:s3], $0xF7A  }
0x26: {  	[smem:$0x3F9D] =	sst s1;
	(tag) =	ssettag s2;
	_ =	strace s9  }
0x27: {  	s1 =	sld [smem:$0x3FAD]  }
0x28: {  	s2 =	sld [smem:$0x3FAE]  }
0x29: {  	s4 =	sld [smem:$0x3FB0]  }
0x2a: {  	p0 =	seq.s32 s5, $0x0;
	s5 =	sld [smem:$0x3FB1]  }
0x2b: {  	s6 =	sld [smem:$0x3FB2]  }
0x2c: {  	s7 =	sld [smem:$0x3FB3]  }
0x2d: {  	s3 =	simm.s32 $0x108;
	s8 =	sld [smem:$0x3FB4]  }
0x2e: {  	s3 =	simm.s32 @!p0 $0x1082;
	s9 =	sld [smem:$0x3FB5]  }
0x2f: {  	lr =	sadd.s32 s0, s3;
	s0 =	sld [smem:$0x3FAC]  }
0x30: {  	s3 =	sld [smem:$0x3FAF]  }
0x31: {  	[smem:$0x3FB8] =	sst s10  }
0x32: {  	s10 =	sld [smem:$0x3FB6];
	_ =	sdelay $0x3  }
0x33: {  	p0 =	seq.s32 s10, $0x1;
	s10 =	sld [smem:$0x3FB8];
	_ =	sdelay $0x3  }
0x34: {  	[smem:$0x3FB8] =	sst s10  }
0x35: {  	s10 =	sld [smem:$0x3FB7];
	_ =	sdelay $0x3  }
0x36: {  	p1 =	seq.s32 s10, $0x1;
	s10 =	sld [smem:$0x3FB8];
	_ =	sdelay $0x3  }
0x37: {  	[smem:$0x3FB8] =	sst s10  }
0x38: {  	s10 =	sld [smem:$0x3FB9]  }
0x39: {  	_ = 	snop;
	(pc) =	sbr.ind lr, $3  }
0x3a: {  	_ = 	snop  }
0x3b: {  	_ = 	snop  }
0x3c: {  	p2 =	seq.s32 s10, $0x1;
	s10 =	sld [smem:$0x3FB8]  }
0x3d: {  	_ =	shalt  }
0x3e: {  	_ =	shalt  }
0x3f: {  	_ =	shalt  }
0x40: {  	_ =	shalt  }
0x41: {  	_ =	shalt  }
0x42: {  	_ =	shalt  }
0x43: {  	_ =	shalt  }
0x44: {  	_ =	shalt  }
0x45: {  	_ =	shalt  }
0x46: {  	_ =	shalt  }
0x47: {  	_ =	shalt  }
0x48: {  	_ =	shalt  }
0x49: {  	_ =	shalt  }
0x4a: {  	_ =	shalt  }
0x4b: {  	_ =	shalt  }
0x4c: {  	_ =	shalt  }
0x4d: {  	_ =	shalt  }
0x4e: {  	_ =	shalt  }
0x4f: {  	_ =	shalt  }
0x50: {  	_ =	shalt  }
0x51: {  	_ =	shalt  }
0x52: {  	_ =	shalt  }
0x53: {  	_ =	shalt  }
0x54: {  	_ =	shalt  }
0x55: {  	_ =	shalt  }
0x56: {  	_ =	shalt  }
0x57: {  	_ =	shalt  }
0x58: {  	_ =	shalt  }
0x59: {  	_ =	shalt  }
0x5a: {  	_ =	shalt  }
0x5b: {  	_ =	shalt  }
0x5c: {  	_ =	shalt  }
0x5d: {  	_ =	shalt  }
0x5e: {  	_ =	shalt  }
0x5f: {  	_ =	shalt  }
0x60: {  	_ =	shalt  }
0x61: {  	_ =	shalt  }
0x62: {  	_ =	shalt  }
0x63: {  	_ =	shalt  }
0x64: {  	_ =	shalt  }
0x65: {  	_ =	shalt  }
0x66: {  	_ =	shalt  }
0x67: {  	_ =	shalt  }
0x68: {  	_ =	shalt  }
0x69: {  	_ =	shalt  }
0x6a: {  	_ =	shalt  }
0x6b: {  	_ =	shalt  }
0x6c: {  	_ =	shalt  }
0x6d: {  	_ =	shalt  }
0x6e: {  	_ =	shalt  }
0x6f: {  	_ =	shalt  }
0x70: {  	_ =	shalt  }
0x71: {  	_ =	shalt  }
0x72: {  	_ =	shalt  }
0x73: {  	_ =	shalt  }
0x74: {  	_ =	shalt  }
0x75: {  	_ =	shalt  }
0x76: {  	_ =	shalt  }
0x77: {  	_ =	shalt  }
0x78: {  	_ =	shalt  }
0x79: {  	_ =	shalt  }
0x7a: {  	_ =	shalt  }
0x7b: {  	_ =	shalt  }
0x7c: {  	_ =	shalt  }
0x7d: {  	_ =	shalt  }
0x7e: {  	_ =	shalt  }
0x7f: {  	_ =	shalt  }
0x80: {  	_ =	shalt  }
0x81: {  	_ =	shalt  }
0x82: {  	_ =	shalt  }
0x83: {  	_ =	shalt  }
0x84: {  	_ =	shalt  }
0x85: {  	_ =	shalt  }
0x86: {  	_ =	shalt  }
0x87: {  	_ =	shalt  }
.Lfunc_end0:
.L_simem_size_0:
called_computation_lowered:
.L_overlay_start_0:
0x88: {  	s2 =	sld [smem:$0x3FD9]  }
0x89: {  	s3 =	sld [smem:$0x3FFE];
	_ =	sdelay $0x1  }
0x8a: {  	s1 =	srdreg.scid  }
0x8b: {  	s0 =	sand.u32 $0x1, s1  }
0x8c: {  	s17 =	sshll.u32 s0, $0xA;
	s2 =	sadd.s32 s3, s2  }
0x8d: {  	s2 =	sadd.s32 s2, s17  }
0x8e: {  	[smem:$0x3FC4] =	sst s2  }
0x8f: {  	_ = 	snop  }
0x90: {  	s2 =	sld [smem:$0x3FC9]  }
0x91: {  	s18 =	sld [smem:$0x3FC8]  }
0x92: {  	s4 =	sld [smem:$0x3FD0];
	(tm) =	ssettm $0x1  }
0x93: {  	s5 =	sld [smem:$0x3FFB];
	_ =	sdelay $0x3  }
0x94: {  	_ =	strace s5  }
0x95: {  	s5 =	sld [smem:$0x3FFC];
	_ =	sdelay $0x3  }
0x96: {  	_ =	strace s5  }
0x97: {  	s5 =	sld [smem:$0x3FFD];
	_ =	sdelay $0x3  }
0x98: {  	_ =	strace s5  }
0x99: {  	_ =	strace $0x8FFFFFFF  }
0x9a: {  	s19 =	sld [smem:$0x3FDB];
	_ =	sdelay $0x1  }
0x9b: {  	s6 =	simm.s32 $_scs_section_size  }
0x9c: {  	s7 =	simm.s32 $_size__tile_overlayer_lowered;
	s8 =	simm.s32 $_tile_overlayer_lowered  }
0x9d: {  	s22 =	simm.s32 $0x1BFF;
	s21 =	sshll.u32 s8, $0x1;
	s5 =	sadd.s32 s6, s19  }
0x9e: {  	s9 =	simm.s32 $0x0;
	s20 =	sshll.u32 s7, $0x1;
	s7 =	sadd.s32 s21, s5  }
0x9f: {  	[timem:s9], [sflag:s22] =	dma.local [hbm:s7], s20  }
0xa0: {  	_ =	swait.ge [sflag:s22], s20  }
0xa1: {  	s6 =	ssub.s32 $0x0, s20;
	[sflag:s22] =	ssyncset.done $0x0  }
0xa2: {  	[sflag:s22] =	ssyncadd.s32 s6;
	_ =	sdelay $0x1  }
0xa3: {  	s23 =	simm.s32 $0x1B8B  }
0xa4: {  	_ =	swait.ge [sflag:s23], $0x1  }
0xa5: {  	[sflag:s23] =	ssyncset.done $0x0  }
0xa6: {  	s25 =	simm.s32 $0x1B8E;
	s24 =	sld [smem:$0x3FFE];
	[sflag:s23] =	ssyncadd.s32 $0xFFFFFFFF  }
0xa7: {  	s26 =	simm.s32 $execute0_lowered;
	[smem:$0x3FD2] =	sst s25  }
0xa8: {  	s7 =	sshll.u32 s26, $0x1;
	_ =	strace $0x80000046;
	[dreg:$0x1] =	wrdreg $0xFFFFFFFF  }
0xa9: {  	s28 =	simm.s32 $_size_execute0_lowered;
	s5 =	sadd.s32 s5, s7;
	[dreg:$0x0] =	wrdreg $0x0  }
0xaa: {  	s7 =	sshll.u32 s28, $0x1;
	[dreg:$0x2] =	wrdreg s5  }
0xab: {  	[dreg:$0x3] =	wrdreg s7  }
0xac: {  	[dreg:$0x4] =	wrdreg $0xC0  }
0xad: {  	_ =	task [dreg:s9], $0x5FFFF  }
0xae: {  	[dreg:$0x1] =	wrdreg $0xFFFFFFFF  }
0xaf: {  	[dreg:$0x0] =	wrdreg $0x60  }
0xb0: {  	[dreg:$0x2] =	wrdreg s24  }
0xb1: {  	[dreg:$0x3] =	wrdreg s2  }
0xb2: {  	[dreg:$0x4] =	wrdreg s18  }
0xb3: {  	[dreg:$0x5] =	wrdreg s4  }
0xb4: {  	[dreg:$0x6] =	wrdreg $0x9  }
0xb5: {  	_ =	task.clear_ibuf [dreg:s9], $0x7FFFF;
	_ =	strace $0x90000046  }
0xb6: {  	s29 =	simm.s32 $0x9;
	_ =	strace $0x80000048  }
0xb7: {  	_ =	swait.ge [sflag:s29], $0x1  }
0xb8: {  	[sflag:s29] =	ssyncadd.s32 $0xFFFFFFFF  }
0xb9: {  	_ =	strace $0x90000048  }
0xba: {  	_ =	sfence  }
0xbb: {  	s30 =	sld [smem:$0x0];
	_ =	sdelay $0x2  }
0xbc: {  	s31 =	sshll.u32 s1, $0xD;
	s1 =	sshrl.u32 s1, $0x2  }
0xbd: {  	s3 =	sand.u32 $0x4000, s31;
	s1 =	sadd.s32 s1, s30  }
0xbe: {  	s0 =	sor.u32 s3, s0;
	s1 =	sshll.u32 s1, $0x11  }
0xbf: {  	s0 =	sor.u32 s1, s0  }
0xc0: {  	s0 =	sadd.s32 $0x8F2B, s0  }
0xc1: {  	[sflag:s0] =	ssyncadd.remote.s32 $0x1  }
0xc2: {  	_ =	sfence.sel $0xFFFF  }
0xc3: {  	[dreg:$0x0] =	wrdreg $0xFFFFFFFF;
	(pc) =	sbr.abs _section_cstart, $3  }
0xc4: {  	[dreg:$0x1] =	wrdreg $0xFFFFFFFF  }
0xc5: {  	_ =	task.clear_ibuf [dreg:s9], $0x2FFFF;
	_ =	strace $0x9FFFFFFF  }
0xc6: {  	(tm) =	ssettm $0x7FFFFFFF  }
0xc7: {  	_ =	shalt  }
tec
execute0_lowered:
.L_overlay_start_1:
0x0: {  	(tag) =	ssettag $0x1  }
0x1: {  	s4 =	rddreg [dreg:$0x0]  }
0x2: {  	s5 =	rddreg [dreg:$0x1]  }
0x3: {  	s6 =	rddreg [dreg:$0x2]  }
0x4: {  	s7 =	rddreg [dreg:$0x3]  }
0x5: {  	s0 =	rddreg [dreg:$0x4];
	s1 =	simm.s32 $0x0  }
0x6: {  	s8 =	srdreg.scid;
	s2 =	stileid.u32;
	s12 =	simm.s32 $0x400  }
0x7: {  	s13 =	simm.s32 $0x4400;
	s14 =	simm.s32 $0x1400;
	s15 =	simm.s32 $0x280  }
0x8: {  	s16 =	simm.s32 $0x5400;
	s17 =	simm.s32 $0x100;
	s18 =	simm.s32 $0x2400  }
0x9: {  	s19 =	simm.s32 $0x300;
	s20 =	simm.s32 $0x6400;
	s21 =	simm.s32 $0x180  }
0xa: {  	s22 =	simm.s32 $0x3400;
	s23 =	simm.s32 $0x380;
	s24 =	simm.s32 $0x7400  }
0xb: {  	s25 =	simm.s32 $0x1;
	s26 =	simm.s32 $0x8400;
	s28 =	simm.s32 $0x0  }
0xc: {  	[smem:$0x7FF] =	sst s1;
	s3 =	sadd.s32 $0xF42A00, s4;
	s8 =	sand.u32 $0x1, s8  }
0xd: {  	s10 =	sshll.u32 s2, $0x7;
	s4 =	sadd.s32 $0x187000, s4;
	s9 =	ssub.s32 $0x2, s8  }
0xe: {  	_ =	strace $0x80000047;
	s8 =	sshll.u32 s8, $0x6;
	s11 =	sshrl.u32 s9, $0x1  }
0xf: {  	s8 =	sor.u32 s8, s10;
	s10 =	simm.s32 $0x200;
	s9 =	ssub.s32 s9, s11  }
0x10: {  	v0 =	vlaneseq.u32;
	s5 =	sadd.s32 s5, s8;
	s6 =	sadd.s32 s6, s8;
	s7 =	sadd.s32 s7, s8  }
0x11: {  	v0 =	vmul.u32 $0x20, v0;
	s11 =	simm.s32 $0x80;
	s8 =	smax.u32 s9, $0x1;
	s9 =	simm.s32 $0x2  }
.LBB2_1:
0x12: {  	[tilespmem:s1], [sflag:$0x2] =	stream.linear.gather [hbm4b:s5+s1], $0x200, $0x38;
	[tilespmem:$0x8600] =	vst v63  }
0x13: {  	_ =	swait.ge [sflag:s9], $0x200  }
0x14: {  	[sflag:s9] =	ssyncset.done $0x0  }
0x15: {  	[sflag:s9] =	ssyncadd.s32 $0xFFFFFE00  }
0x16: {  	[tilespmem:s10], [sflag:$0x2] =	stream.linear.gather [hbm4b:s6+s1], $0x200, $0x38;
	[tilespmem:$0x8600] =	vst v63  }
0x17: {  	_ =	swait.ge [sflag:s9], $0x200  }
0x18: {  	[sflag:s9] =	ssyncset.done $0x0  }
0x19: {  	[sflag:s9] =	ssyncadd.s32 $0xFFFFFE00  }
0x1a: {  	[tilespmem:s12], [sflag:$0x1] =	stream.indirect.gather [hbm4b:s3+s11], $0x20, s1, s11, $0xb8;
	[tilespmem:$0x8600] =	vst v63  }
0x1b: {  	_ = 	snop  }
0x1c: {  	[tilespmem:s13], [sflag:$0x1] =	stream.indirect.gather [hbm4b:s4+s11], $0x20, s10, s11, $0xb8;
	[tilespmem:$0x8600] =	vst v63  }
0x1d: {  	_ = 	snop  }
0x1e: {  	[tilespmem:s14], [sflag:$0x1] =	stream.indirect.gather [hbm4b:s3+s11], $0x20, s11, s11, $0xb8;
	[tilespmem:$0x8600] =	vst v63  }
0x1f: {  	_ = 	snop  }
0x20: {  	[tilespmem:s16], [sflag:$0x1] =	stream.indirect.gather [hbm4b:s4+s11], $0x20, s15, s11, $0xb8;
	[tilespmem:$0x8600] =	vst v63  }
0x21: {  	_ = 	snop  }
0x22: {  	[tilespmem:s18], [sflag:$0x1] =	stream.indirect.gather [hbm4b:s3+s11], $0x20, s17, s11, $0xb8;
	[tilespmem:$0x8600] =	vst v63  }
0x23: {  	_ = 	snop  }
0x24: {  	[tilespmem:s20], [sflag:$0x1] =	stream.indirect.gather [hbm4b:s4+s11], $0x20, s19, s11, $0xb8;
	[tilespmem:$0x8600] =	vst v63  }
0x25: {  	_ = 	snop  }
0x26: {  	[tilespmem:s22], [sflag:$0x1] =	stream.indirect.gather [hbm4b:s3+s11], $0x20, s21, s11, $0xb8;
	[tilespmem:$0x8600] =	vst v63  }
0x27: {  	_ = 	snop  }
0x28: {  	[tilespmem:s24], [sflag:$0x1] =	stream.indirect.gather [hbm4b:s4+s11], $0x20, s23, s11, $0xb8;
	[tilespmem:$0x8600] =	vst v63  }
0x29: {  	_ =	swait.ge [sflag:s25], $0x1000  }
0x2a: {  	[sflag:s25] =	ssyncset.done $0x0  }
0x2b: {  	[sflag:s25] =	ssyncadd.s32 $0xFFFFF000  }
0x2c: {  	_ =	swait.ge [sflag:s25], $0x1000  }
0x2d: {  	[sflag:s25] =	ssyncset.done $0x0  }
0x2e: {  	[sflag:s25] =	ssyncadd.s32 $0xFFFFF000  }
0x2f: {  	_ =	swait.ge [sflag:s25], $0x1000  }
0x30: {  	[sflag:s25] =	ssyncset.done $0x0  }
0x31: {  	[sflag:s25] =	ssyncadd.s32 $0xFFFFF000  }
0x32: {  	_ =	swait.ge [sflag:s25], $0x1000  }
0x33: {  	[sflag:s25] =	ssyncset.done $0x0  }
0x34: {  	[sflag:s25] =	ssyncadd.s32 $0xFFFFF000  }
0x35: {  	_ =	swait.ge [sflag:s25], $0x1000  }
0x36: {  	[sflag:s25] =	ssyncset.done $0x0  }
0x37: {  	[sflag:s25] =	ssyncadd.s32 $0xFFFFF000  }
0x38: {  	_ =	swait.ge [sflag:s25], $0x1000  }
0x39: {  	[sflag:s25] =	ssyncset.done $0x0  }
0x3a: {  	[sflag:s25] =	ssyncadd.s32 $0xFFFFF000  }
0x3b: {  	_ =	swait.ge [sflag:s25], $0x1000  }
0x3c: {  	[sflag:s25] =	ssyncset.done $0x0  }
0x3d: {  	[sflag:s25] =	ssyncadd.s32 $0xFFFFF000  }
0x3e: {  	_ =	swait.ge [sflag:s25], $0x1000  }
0x3f: {  	[sflag:s25] =	ssyncset.done $0x0  }
0x40: {  	s29 =	simm.s32 $0x0;
	[sflag:s25] =	ssyncadd.s32 $0xFFFFF000  }
.LBB2_2:
0x41: {  	s31 =	simm.s32 $0x0  }
0x42: {  	s30 =	sshll.u32 s29, $0x4;
	v1 =	vmov s31  }
0x43: {  	v2 =	vmov s30;
	v1 =	vand.u32 $0x1F, v1  }
0x44: {  	v2 =	vshll.u32 v2, $0x5;
	v1 =	vbroadcast v1, $0x0  }
0x45: {  	v5 =	vor.u32 v0, v2  }
0x46: {  	v1 =	vor.u32 v5, v1  }
0x47: {  	s31 =	simm.s32 $0x1  }
0x48: {  	v2 =	vmov s31  }
0x49: {  	v2 =	vand.u32 $0x1F, v2  }
0x4a: {  	v2 =	vbroadcast v2, $0x0  }
0x4b: {  	v3 =	vld.idx.msk [tilespmem:v1+s13+$0x0], $0xffff  }
0x4c: {  	s31 =	simm.s32 $0x2;
	v6 =	vor.u32 v5, v2;
	v8 =	vld.idx.msk [tilespmem:v1+s12+$0x0], $0xffff  }
0x4d: {  	v1 =	vmov s31  }
0x4e: {  	v1 =	vand.u32 $0x1F, v1  }
0x4f: {  	v4 =	vbroadcast v1, $0x0  }
0x50: {  	v1 =	vimm.f32 $0.0e+00;
	v10 =	vmul.f32 v3, v3  }
0x51: {  	v2 =	vld.idx.msk [tilespmem:v6+s13+$0x0], $0xffff;
	v7 =	vor.u32 v5, v4;
	v4 =	vmul.f32 v3, v8;
	v9 =	vmul.f32 v8, v8  }
0x52: {  	s31 =	simm.s32 $0x3;
	v3 =	vld.idx.msk [tilespmem:v6+s12+$0x0], $0xffff;
	v8 =	vimm.f32 $0.0e+00;
	v6 =	vadd.f32 v10, v1  }
.LBB2_3:
0x53: {  	v10 =	vmov s31;
	p0 =	sne.s32 s31, $0x1F;
	s31 =	sadd.s32 $0x1, s31;
	v1 =	vadd.f32 v4, v1;
	v8 =	vadd.f32 v9, v8  }
.Ltmp0:
0x54: {  	v9 =	vand.u32 $0x1F, v10;
	(pc) =	sbr.rel @p0 .LBB2_3-.Ltmp0, $4  }
0x55: {  	v10 =	vbroadcast v9, $0x0  }
0x56: {  	v11 =	vmul.f32 v2, v2;
	v4 =	vmov v2;
	v2 =	vld.idx.msk [tilespmem:v7+s13+$0x0], $0xffff  }
0x57: {  	v4 =	vmul.f32 v4, v3;
	v9 =	vmul.f32 v3, v3;
	v3 =	vld.idx.msk [tilespmem:v7+s12+$0x0], $0xffff;
	v7 =	vor.u32 v5, v10  }
0x58: {  	v6 =	vadd.f32 v11, v6  }
0x59: {  	_ =	sdelay $0x3  }
0x5a: {  	v5 =	vld.idx.msk [tilespmem:v7+s12+$0x0], $0xffff;
	_ =	sdelay $0x1  }
0x5b: {  	v52 =	vld.idx.msk [tilespmem:v7+s13+$0x0], $0xffff  }
0x5c: {  	v8 =	vadd.f32 v9, v8;
	v53 =	vmul.f32 v3, v3;
	_ =	sdelay $0x1  }
0x5d: {  	v10 =	vmul.f32 v2, v2;
	v8 =	vadd.f32 v53, v8;
	v54 =	vmul.f32 v5, v5;
	_ =	sdelay $0x1  }
0x5e: {  	v6 =	vadd.f32 v10, v6;
	v55 =	vmul.f32 v52, v52;
	v8 =	vadd.f32 v54, v8;
	_ =	sdelay $0x1  }
0x5f: {  	v6 =	vadd.f32 v55, v6;
	v8 =	vmax.f32 v8, $1.000000040e-36  }
0x60: {  	v56 =	vshra.s32 v8, $0x1;
	v8 =	vmul.f32 $5.000000000e-01, v8  }
0x61: {  	v6 =	vmax.f32 v6, $1.000000040e-36;
	v9 =	vsub.s32 $0x5F3759DF, v56  }
0x62: {  	v11 =	vshra.s32 v6, $0x1;
	v6 =	vmul.f32 $5.000000000e-01, v6;
	v57 =	vmul.f32 v9, v8  }
0x63: {  	v11 =	vsub.s32 $0x5F3759DF, v11  }
0x64: {  	v12 =	vmul.f32 v11, v6;
	v10 =	vmul.f32 v9, v57;
	_ =	sdelay $0x1  }
0x65: {  	v12 =	vmul.f32 v11, v12;
	v10 =	vsub.f32 $1.500000000e+00, v10;
	_ =	sdelay $0x1  }
0x66: {  	v58 =	vsub.f32 $1.500000000e+00, v12;
	v9 =	vmul.f32 v9, v10;
	_ =	sdelay $0x1  }
0x67: {  	v10 =	vmul.f32 v11, v58;
	v59 =	vmul.f32 v9, v8;
	_ =	sdelay $0x1  }
0x68: {  	v61 =	vmul.f32 v10, v6;
	v60 =	vmul.f32 v59, v9;
	_ =	sdelay $0x1  }
0x69: {  	v12 =	vmul.f32 v61, v10;
	v11 =	vsub.f32 $1.500000000e+00, v60;
	_ =	sdelay $0x1  }
0x6a: {  	v62 =	vsub.f32 $1.500000000e+00, v12;
	v9 =	vmul.f32 v11, v9;
	_ =	sdelay $0x1  }
0x6b: {  	v10 =	vmul.f32 v62, v10;
	v8 =	vmul.f32 v9, v8;
	_ =	sdelay $0x1  }
0x6c: {  	v6 =	vmul.f32 v10, v6;
	v8 =	vmul.f32 v8, v9  }
0x6d: {  	v1 =	vadd.f32 v4, v1;
	v2 =	vmul.f32 v2, v3  }
0x6e: {  	v63 =	vmul.f32 v6, v10;
	v3 =	vsub.f32 $1.500000000e+00, v8  }
0x6f: {  	v1 =	vadd.f32 v2, v1;
	v2 =	vmul.f32 v52, v5  }
0x70: {  	v4 =	vsub.f32 $1.500000000e+00, v63;
	v3 =	vmul.f32 v3, v9  }
0x71: {  	s29 =	sadd.s32 $0x1, s29;
	v1 =	vadd.f32 v2, v1  }
0x72: {  	p0 =	sne.s32 s29, $0x20;
	v2 =	vmin.f32 v3, $9.999999950e+11;
	v3 =	vmul.f32 v4, v10  }
.Ltmp1:
0x73: {  	v1 =	vmul.f32 v2, v1;
	(pc) =	sbr.rel @p0 .LBB2_2-.Ltmp1, $3  }
0x74: {  	v2 =	vmin.f32 v3, $9.999999950e+11  }
0x75: {  	v1 =	vmul.f32 v2, v1;
	_ =	sdelay $0x1  }
0x76: {  	[tilespmem:s30+$0x8400] =	vst v1  }
0x77: {  	s28 =	sadd.s32 $0x1, s28  }
0x78: {  	p0 =	sne.s32 s28, s8  }
.Ltmp2:
0x79: {  	_ = 	snop;
	(pc) =	sbr.rel @p0 .LBB2_1-.Ltmp2, $4  }
0x7a: {  	[hbm4b:s7+s1] =	stream.linear.scatter [tilespmem:s26], [sflag:$0x2], $0x200, $0x38;
	[tilespmem:$0x8600] =	vst v63  }
0x7b: {  	_ =	swait.ge [sflag:s9], $0x200  }
0x7c: {  	[sflag:s9] =	ssyncset.done $0x0  }
0x7d: {  	[sflag:s9] =	ssyncadd.s32 $0xFFFFFE00  }
0x7e: {  	_ =	sfence.sel $0x180000  }
0x7f: {  	[bflag:$0x0] =	sbarrier.arrive $0xFFFF  }
0x80: {  	p0 =	sne.s32 s2, $0x0;
	_ =	strace $0x90000047  }
0x81: {  	s0 =	sadd.s32 @!p0 $0x100000, s0;
	[bflag:$0x2] =	sbarrier.arrive $0xFFFF  }
0x82: {  	[sflag:s0] =	ssyncadd.tile.s32 @!p0 $0x1;
	_ =	shalt  }
.Lfunc_end2:
_tile_overlayer_lowered:
.L_overlay_start_2:
0x83: {  	(tag) =	ssettag $0x2  }
0x84: {  	s0 =	rddreg [dreg:$0x0];
	s2 =	stileid.u32  }
0x85: {  	s1 =	rddreg [dreg:$0x1];
	p0 =	sne.s32 s2, $0x0  }
0x86: {  	s3 =	rddreg [dreg:$0x2];
	[bflag:$0x3] =	sbarrier.arrive $0xFFFF;
	s2 =	simm.s32 @!p0 $0x1C02  }
0x87: {  	[timem:s3], [sflag:s2] =	dma.local @!p0 [hbm:s0], s1  }
0x88: {  	s0 =	simm.s32 @!p0 $0x2  }
0x89: {  	_ =	swait.ge @!p0 [sflag:s0], s1  }
0x8a: {  	s1 =	ssub.s32 @!p0 $0x0, s1;
	[sflag:s0] =	ssyncset.done @!p0 $0x0  }
0x8b: {  	[sflag:s0] =	ssyncadd.s32 @!p0 s1  }
0x8c: {  	[bflag:$0x3] =	sbarrier.arrive $0xFFFF  }
0x8d: {  	_ =	shalt  }

</sc_bundles>
